<compile_context>
chip_gen: v7x
topology: tpu7x:2x2x1
jax: 0.10.2.dev20260603
libtpu: 0.0.44.dev20260713+nightly
codegen_flags: <defaults>
</compile_context>

<pallas_src>
import functools

import jax
import jax.numpy as jnp
from jax import lax
from jax.experimental import pallas as pl
from jax.experimental.pallas import tpu as pltpu
from jax.experimental.pallas import tpu_sc as plsc

N_DIMS = 64
SEQ_LEN = 200
BATCH = 4096

NUM_CORES = 2
NUM_SUBCORES = 16
NUM_WORKERS = NUM_CORES * NUM_SUBCORES
ROWS_PER_WORKER = BATCH // NUM_WORKERS
LANES = 16
NBUF = 2


def kernel(categories, category_table, position_table):
    mesh = plsc.VectorSubcoreMesh(core_axis_name="c", subcore_axis_name="s")

    @functools.partial(
        pl.kernel,
        mesh=mesh,
        compiler_params=pltpu.CompilerParams(use_tc_tiling_on_sc=False),
        out_type=jax.ShapeDtypeStruct((BATCH, SEQ_LEN, N_DIMS), jnp.float32),
        scratch_types=[
            pltpu.VMEM((ROWS_PER_WORKER, SEQ_LEN), jnp.int32),
            pltpu.VMEM((SEQ_LEN, N_DIMS), jnp.float32),
            [pltpu.VMEM((SEQ_LEN, N_DIMS), jnp.float32) for _ in range(NBUF)],
            [pltpu.VMEM((SEQ_LEN, N_DIMS), jnp.float32) for _ in range(NBUF)],
            [pltpu.SemaphoreType.DMA for _ in range(NBUF)],
            [pltpu.SemaphoreType.DMA for _ in range(NBUF)],
        ],
    )
    def emb_kernel(cat_hbm, table_hbm, pos_hbm, out_hbm,
                   idx_all, pos_v, rows, obuf, gsem, wsem):
        wid = lax.axis_index("s") * NUM_CORES + lax.axis_index("c")
        base = wid * ROWS_PER_WORKER
        pltpu.sync_copy(cat_hbm.at[pl.ds(base, ROWS_PER_WORKER)], idx_all)
        pltpu.sync_copy(pos_hbm, pos_v)

        def gather(i, t):
            pltpu.async_copy(table_hbm.at[idx_all.at[i]], rows[t], gsem[t])

        def gather_wait(i, t):
            pltpu.make_async_copy(
                table_hbm.at[idx_all.at[i]], rows[t], gsem[t]).wait()

        def write(i, t):
            pltpu.async_copy(obuf[t], out_hbm.at[base + i], wsem[t])

        def write_wait(i, t):
            pltpu.make_async_copy(obuf[t], out_hbm.at[base + i], wsem[t]).wait()

        for t in range(NBUF):
            gather(t, t)

        def body(j, carry):
            for t in range(NBUF):
                i = j * NBUF + t
                gather_wait(i, t)

                @pl.when(i >= NBUF)
                def _():
                    write_wait(i - NBUF, t)

                def add_row(l, c):
                    for q in range(N_DIMS // LANES):
                        sl = (l, pl.ds(q * LANES, LANES))
                        obuf[t][sl] = rows[t][sl] + pos_v[sl]
                    return c

                lax.fori_loop(0, SEQ_LEN, add_row, 0)
                write(i, t)

                @pl.when(i + NBUF < ROWS_PER_WORKER)
                def _():
                    gather(i + NBUF, t)
            return carry

        lax.fori_loop(0, ROWS_PER_WORKER // NBUF, body, 0)
        for t in range(NBUF):
            write_wait(ROWS_PER_WORKER - NBUF + t, t)

    return emb_kernel(categories, category_table, position_table)

# --- scband reference (transcript-rebuilt; emitter-appended) ---
"""Pipeline reference for scband-encoder-embedding-80668075753722 (READ-ONLY COPY).

The authoritative reference and input builder live on the scoring server;
editing this copy changes nothing except your own understanding.
"""

import jax, jax.numpy as jnp
import numpy as np

N_CATEGORIES = 1000000
N_DIMS = 64
SEQ_LEN = 200
BATCH = 4096

def setup_inputs(seed: int = 0) -> dict:
    key = jax.random.key(seed)
    k1, k2, k3 = jax.random.split(key, 3)
    categories = jax.random.randint(k1, (BATCH, SEQ_LEN), 0, N_CATEGORIES, dtype=jnp.int64 if jax.config.jax_enable_x64 else jnp.int32)
    category_table = jax.random.normal(k2, (N_CATEGORIES, N_DIMS), dtype=jnp.float32)
    position_table = jax.random.normal(k3, (SEQ_LEN, N_DIMS), dtype=jnp.float32)
    return {"categories": categories, "category_table": category_table, "position_table": position_table}

def reference(categories, category_table, position_table):
    # c = self.category_embed(categories)  -> [B, L, D]
    c = jnp.take(category_table, categories, axis=0)
    # seq = arange(seq_len).unsqueeze(0); p = self.position_embed(seq) -> [1, L, D]
    seq = jnp.arange(SEQ_LEN)[None, :]
    p = jnp.take(position_table, seq, axis=0)
    return p + c

if __name__ == "__main__":
    import jax
    _d = setup_inputs()
    print(jax.jit(kernel)(*tuple(_d.values())))

</pallas_src>

<mosaic_0001>
#map = affine_map<(d0, d1) -> (0, 0)>
#map1 = affine_map<(d0, d1) -> (0, 0, 0)>
module attributes {stable_mosaic.version = 14 : i64} {
  func.func @emb_kernel(%arg0: i32, %arg1: i32, %arg2: memref<4096x200xi32, #tpu.memory_space<hbm>>, %arg3: memref<1000000x64xf32, #tpu.memory_space<hbm>>, %arg4: memref<200x64xf32, #tpu.memory_space<hbm>>, %arg5: memref<4096x200x64xf32, #tpu.memory_space<hbm>>, %arg6: memref<128x200xi32, #tpu.memory_space<vmem>>, %arg7: memref<200x64xf32, #tpu.memory_space<vmem>>, %arg8: memref<200x64xf32, #tpu.memory_space<vmem>>, %arg9: memref<200x64xf32, #tpu.memory_space<vmem>>, %arg10: memref<200x64xf32, #tpu.memory_space<vmem>>, %arg11: memref<200x64xf32, #tpu.memory_space<vmem>>, %arg12: memref<!tpu.dma_semaphore, #tpu.memory_space<semaphore_mem>>, %arg13: memref<!tpu.dma_semaphore, #tpu.memory_space<semaphore_mem>>, %arg14: memref<!tpu.dma_semaphore, #tpu.memory_space<semaphore_mem>>, %arg15: memref<!tpu.dma_semaphore, #tpu.memory_space<semaphore_mem>>) attributes {dimension_semantics = [#tpu.dimension_semantics<core_parallel>, #tpu.dimension_semantics<subcore_parallel>], iteration_bounds = array<i64: 2, 16>, scalar_prefetch = 0 : i64, scratch_operands = 10 : i64, tpu.core_type = #tpu.core_type<sc_vector_subcore>, window_params = [{transform_indices = #map}, {transform_indices = #map}, {transform_indices = #map}, {transform_indices = #map1}]} {
    %mul3A = arith.constant 2 : i32
    %mul3A_0 = arith.muli %arg1, %mul3A : i32
    %add3A = arith.addi %mul3A_0, %arg0 : i32
    %mul3A_1 = arith.constant 128 : i32
    %mul3A_2 = arith.muli %add3A, %mul3A_1 : i32
    "tpu.region"() ({
      %run_scoped3A = tpu.sem_alloc : memref<!tpu.dma_semaphore, #tpu.memory_space<semaphore_mem>>
      %dma_start3A_40 = arith.constant 0 : i32
      %dma_start3A_41 = tpu.memref_slice %arg2[%mul3A_2, %dma_start3A_40] : memref<4096x200xi32, #tpu.memory_space<hbm>> -> memref<128x200xi32, #tpu.memory_space<hbm>>
      %dma_start3A_42 = arith.constant 0 : i32
      %dma_start3A_43 = tpu.memref_slice %arg2[%mul3A_2, %dma_start3A_42] : memref<4096x200xi32, #tpu.memory_space<hbm>> -> memref<128x200xi32, #tpu.memory_space<hbm>>
      tpu.enqueue_dma source(%dma_start3A_43 : memref<128x200xi32, #tpu.memory_space<hbm>>) target(%arg6 : memref<128x200xi32, #tpu.memory_space<vmem>>) target_semaphore(%run_scoped3A : memref<!tpu.dma_semaphore, #tpu.memory_space<semaphore_mem>>)
      %dma_wait3A_44 = arith.constant 0 : i32
      %dma_wait3A_45 = tpu.memref_slice %arg2[%mul3A_2, %dma_wait3A_44] : memref<4096x200xi32, #tpu.memory_space<hbm>> -> memref<128x200xi32, #tpu.memory_space<hbm>>
      %dma_wait3A_46 = arith.constant 0 : i32
      %dma_wait3A_47 = tpu.memref_slice %arg2[%mul3A_2, %dma_wait3A_46] : memref<4096x200xi32, #tpu.memory_space<hbm>> -> memref<128x200xi32, #tpu.memory_space<hbm>>
      tpu.wait_dma2 semaphore(%run_scoped3A : memref<!tpu.dma_semaphore, #tpu.memory_space<semaphore_mem>>) src(%dma_wait3A_47 : memref<128x200xi32, #tpu.memory_space<hbm>>) dst(%arg6 : memref<128x200xi32, #tpu.memory_space<vmem>>)
      tpu.yield
    }) : () -> ()
    "tpu.region"() ({
      %run_scoped3A = tpu.sem_alloc : memref<!tpu.dma_semaphore, #tpu.memory_space<semaphore_mem>>
      tpu.enqueue_dma source(%arg4 : memref<200x64xf32, #tpu.memory_space<hbm>>) target(%arg7 : memref<200x64xf32, #tpu.memory_space<vmem>>) target_semaphore(%run_scoped3A : memref<!tpu.dma_semaphore, #tpu.memory_space<semaphore_mem>>)
      tpu.wait_dma2 semaphore(%run_scoped3A : memref<!tpu.dma_semaphore, #tpu.memory_space<semaphore_mem>>) src(%arg4 : memref<200x64xf32, #tpu.memory_space<hbm>>) dst(%arg7 : memref<200x64xf32, #tpu.memory_space<vmem>>)
      tpu.yield
    }) : () -> ()
    %dma_start3A = arith.constant 0 : i32
    %dma_start3A_3 = arith.constant 0 : i32
    %dma_start3A_4 = tpu.memref_slice %arg6[%dma_start3A, %dma_start3A_3] : memref<128x200xi32, #tpu.memory_space<vmem>> -> memref<1x200xi32, #tpu.memory_space<vmem>>
    %dma_start3A_5 = tpu.memref_squeeze %dma_start3A_4 : memref<1x200xi32, #tpu.memory_space<vmem>> -> memref<200xi32, #tpu.memory_space<vmem>>
    %dma_start3A_6 = arith.constant 0 : i32
    %dma_start3A_7 = arith.constant 0 : i32
    %dma_start3A_8 = tpu.memref_slice %arg3[%dma_start3A_6, %dma_start3A_7] : memref<1000000x64xf32, #tpu.memory_space<hbm>> -> memref<1000000x64xf32, #tpu.memory_space<hbm>>
    tpu.enqueue_indirect_dma source(%dma_start3A_8 : memref<1000000x64xf32, #tpu.memory_space<hbm>>) target(%arg8 : memref<200x64xf32, #tpu.memory_space<vmem>>) offsets(%dma_start3A_5 : memref<200xi32, #tpu.memory_space<vmem>>) semaphore(%arg12 : memref<!tpu.dma_semaphore, #tpu.memory_space<semaphore_mem>>)
    %dma_start3A_9 = arith.constant 1 : i32
    %dma_start3A_10 = arith.constant 0 : i32
    %dma_start3A_11 = tpu.memref_slice %arg6[%dma_start3A_9, %dma_start3A_10] : memref<128x200xi32, #tpu.memory_space<vmem>> -> memref<1x200xi32, #tpu.memory_space<vmem>>
    %dma_start3A_12 = tpu.memref_squeeze %dma_start3A_11 : memref<1x200xi32, #tpu.memory_space<vmem>> -> memref<200xi32, #tpu.memory_space<vmem>>
    %dma_start3A_13 = arith.constant 0 : i32
    %dma_start3A_14 = arith.constant 0 : i32
    %dma_start3A_15 = tpu.memref_slice %arg3[%dma_start3A_13, %dma_start3A_14] : memref<1000000x64xf32, #tpu.memory_space<hbm>> -> memref<1000000x64xf32, #tpu.memory_space<hbm>>
    tpu.enqueue_indirect_dma source(%dma_start3A_15 : memref<1000000x64xf32, #tpu.memory_space<hbm>>) target(%arg9 : memref<200x64xf32, #tpu.memory_space<vmem>>) offsets(%dma_start3A_12 : memref<200xi32, #tpu.memory_space<vmem>>) semaphore(%arg13 : memref<!tpu.dma_semaphore, #tpu.memory_space<semaphore_mem>>)
    %scan3A = arith.constant 0 : i32
    %scan3A_16 = arith.constant 0 : i32
    %scan3A_17 = arith.constant 64 : i32
    %scan3A_18 = arith.addi %scan3A_16, %scan3A_17 : i32
    %scan3A_19 = arith.constant 1 : i32
    scf.for %scan3A_40 = %scan3A_16 to %scan3A_18 step %scan3A_19  : i32 {
      %mul3A_41 = arith.constant 2 : i32
      %mul3A_42 = arith.muli %scan3A_40, %mul3A_41 : i32
      %add3A_43 = arith.constant 0 : i32
      %add3A_44 = arith.addi %mul3A_42, %add3A_43 : i32
      %dma_wait3A_45 = arith.constant 0 : i32
      %dma_wait3A_46 = tpu.memref_slice %arg6[%add3A_44, %dma_wait3A_45] : memref<128x200xi32, #tpu.memory_space<vmem>> -> memref<1x200xi32, #tpu.memory_space<vmem>>
      %dma_wait3A_47 = tpu.memref_squeeze %dma_wait3A_46 : memref<1x200xi32, #tpu.memory_space<vmem>> -> memref<200xi32, #tpu.memory_space<vmem>>
      %dma_wait3A_48 = arith.constant 0 : i32
      %dma_wait3A_49 = arith.constant 0 : i32
      %dma_wait3A_50 = tpu.memref_slice %arg3[%dma_wait3A_48, %dma_wait3A_49] : memref<1000000x64xf32, #tpu.memory_space<hbm>> -> memref<1000000x64xf32, #tpu.memory_space<hbm>>
      tpu.wait_indirect_dma semaphore(%arg12 : memref<!tpu.dma_semaphore, #tpu.memory_space<semaphore_mem>>) src(%dma_wait3A_50 : memref<1000000x64xf32, #tpu.memory_space<hbm>>) dst(%arg8 : memref<200x64xf32, #tpu.memory_space<vmem>>)
      %ge3A = arith.constant 2 : i32
      %ge3A_51 = arith.cmpi sge, %add3A_44, %ge3A : i32
      %convert_element_type3A = arith.extui %ge3A_51 : i1 to i32
      %cond3A = arith.constant 0 : i32
      %cond3A_52 = arith.cmpi ne, %convert_element_type3A, %cond3A : i32
      scf.if %cond3A_52 {
        %sub3A = arith.constant 2 : i32
        %sub3A_111 = arith.subi %add3A_44, %sub3A : i32
        %add3A_112 = arith.addi %mul3A_2, %sub3A_111 : i32
        %dma_wait3A_113 = arith.constant 0 : i32
        %dma_wait3A_114 = arith.constant 0 : i32
        %dma_wait3A_115 = tpu.memref_slice %arg5[%add3A_112, %dma_wait3A_113, %dma_wait3A_114] : memref<4096x200x64xf32, #tpu.memory_space<hbm>> -> memref<1x200x64xf32, #tpu.memory_space<hbm>>
        %dma_wait3A_116 = tpu.memref_squeeze %dma_wait3A_115 : memref<1x200x64xf32, #tpu.memory_space<hbm>> -> memref<200x64xf32, #tpu.memory_space<hbm>>
        %dma_wait3A_117 = arith.constant 0 : i32
        %dma_wait3A_118 = arith.constant 0 : i32
        %dma_wait3A_119 = tpu.memref_slice %arg5[%add3A_112, %dma_wait3A_117, %dma_wait3A_118] : memref<4096x200x64xf32, #tpu.memory_space<hbm>> -> memref<1x200x64xf32, #tpu.memory_space<hbm>>
        %dma_wait3A_120 = tpu.memref_squeeze %dma_wait3A_119 : memref<1x200x64xf32, #tpu.memory_space<hbm>> -> memref<200x64xf32, #tpu.memory_space<hbm>>
        tpu.wait_dma2 semaphore(%arg14 : memref<!tpu.dma_semaphore, #tpu.memory_space<semaphore_mem>>) src(%arg10 : memref<200x64xf32, #tpu.memory_space<vmem>>) dst(%dma_wait3A_120 : memref<200x64xf32, #tpu.memory_space<hbm>>)
      } else {
      }
      %scan3A_53 = arith.constant 0 : i32
      %scan3A_54 = arith.constant 0 : i32
      %scan3A_55 = arith.constant 200 : i32
      %scan3A_56 = arith.addi %scan3A_54, %scan3A_55 : i32
      %scan3A_57 = arith.constant 1 : i32
      scf.for %scan3A_111 = %scan3A_54 to %scan3A_56 step %scan3A_57  : i32 {
        %get3A = arith.index_cast %scan3A_111 : i32 to index
        %get3A_112 = arith.constant 0 : index
        %get3A_113 = tpu.vector_load %arg8[%get3A, %get3A_112] {strides = array<i32>} : memref<200x64xf32, #tpu.memory_space<vmem>>, vector<1x16xf32>,
        %get3A_114 = vector.shape_cast %get3A_113 : vector<1x16xf32> to vector<16xf32>
        %get3A_115 = arith.index_cast %scan3A_111 : i32 to index
        %get3A_116 = arith.constant 0 : index
        %get3A_117 = tpu.vector_load %arg7[%get3A_115, %get3A_116] {strides = array<i32>} : memref<200x64xf32, #tpu.memory_space<vmem>>, vector<1x16xf32>,
        %get3A_118 = vector.shape_cast %get3A_117 : vector<1x16xf32> to vector<16xf32>
        %add3A_119 = arith.addf %get3A_114, %get3A_118 : vector<16xf32>
        %swap3A = arith.index_cast %scan3A_111 : i32 to index
        %swap3A_120 = arith.constant 0 : index
        %swap3A_121 = tpu.vector_load %arg10[%swap3A, %swap3A_120] {strides = array<i32>} : memref<200x64xf32, #tpu.memory_space<vmem>>, vector<1x16xf32>,
        %swap3A_122 = vector.shape_cast %swap3A_121 : vector<1x16xf32> to vector<16xf32>
        %swap3A_123 = vector.shape_cast %add3A_119 : vector<16xf32> to vector<1x16xf32>
        tpu.vector_store %arg10[%swap3A, %swap3A_120], %swap3A_123 {strides = array<i32>} : memref<200x64xf32, #tpu.memory_space<vmem>>, vector<1x16xf32>,
        %get3A_124 = arith.index_cast %scan3A_111 : i32 to index
        %get3A_125 = arith.constant 16 : index
        %get3A_126 = tpu.vector_load %arg8[%get3A_124, %get3A_125] {strides = array<i32>} : memref<200x64xf32, #tpu.memory_space<vmem>>, vector<1x16xf32>,
        %get3A_127 = vector.shape_cast %get3A_126 : vector<1x16xf32> to vector<16xf32>
        %get3A_128 = arith.index_cast %scan3A_111 : i32 to index
        %get3A_129 = arith.constant 16 : index
        %get3A_130 = tpu.vector_load %arg7[%get3A_128, %get3A_129] {strides = array<i32>} : memref<200x64xf32, #tpu.memory_space<vmem>>, vector<1x16xf32>,
        %get3A_131 = vector.shape_cast %get3A_130 : vector<1x16xf32> to vector<16xf32>
        %add3A_132 = arith.addf %get3A_127, %get3A_131 : vector<16xf32>
        %swap3A_133 = arith.index_cast %scan3A_111 : i32 to index
        %swap3A_134 = arith.constant 16 : index
        %swap3A_135 = tpu.vector_load %arg10[%swap3A_133, %swap3A_134] {strides = array<i32>} : memref<200x64xf32, #tpu.memory_space<vmem>>, vector<1x16xf32>,
        %swap3A_136 = vector.shape_cast %swap3A_135 : vector<1x16xf32> to vector<16xf32>
        %swap3A_137 = vector.shape_cast %add3A_132 : vector<16xf32> to vector<1x16xf32>
        tpu.vector_store %arg10[%swap3A_133, %swap3A_134], %swap3A_137 {strides = array<i32>} : memref<200x64xf32, #tpu.memory_space<vmem>>, vector<1x16xf32>,
        %get3A_138 = arith.index_cast %scan3A_111 : i32 to index
        %get3A_139 = arith.constant 32 : index
        %get3A_140 = tpu.vector_load %arg8[%get3A_138, %get3A_139] {strides = array<i32>} : memref<200x64xf32, #tpu.memory_space<vmem>>, vector<1x16xf32>,
        %get3A_141 = vector.shape_cast %get3A_140 : vector<1x16xf32> to vector<16xf32>
        %get3A_142 = arith.index_cast %scan3A_111 : i32 to index
        %get3A_143 = arith.constant 32 : index
        %get3A_144 = tpu.vector_load %arg7[%get3A_142, %get3A_143] {strides = array<i32>} : memref<200x64xf32, #tpu.memory_space<vmem>>, vector<1x16xf32>,
        %get3A_145 = vector.shape_cast %get3A_144 : vector<1x16xf32> to vector<16xf32>
        %add3A_146 = arith.addf %get3A_141, %get3A_145 : vector<16xf32>
        %swap3A_147 = arith.index_cast %scan3A_111 : i32 to index
        %swap3A_148 = arith.constant 32 : index
        %swap3A_149 = tpu.vector_load %arg10[%swap3A_147, %swap3A_148] {strides = array<i32>} : memref<200x64xf32, #tpu.memory_space<vmem>>, vector<1x16xf32>,
        %swap3A_150 = vector.shape_cast %swap3A_149 : vector<1x16xf32> to vector<16xf32>
        %swap3A_151 = vector.shape_cast %add3A_146 : vector<16xf32> to vector<1x16xf32>
        tpu.vector_store %arg10[%swap3A_147, %swap3A_148], %swap3A_151 {strides = array<i32>} : memref<200x64xf32, #tpu.memory_space<vmem>>, vector<1x16xf32>,
        %get3A_152 = arith.index_cast %scan3A_111 : i32 to index
        %get3A_153 = arith.constant 48 : index
        %get3A_154 = tpu.vector_load %arg8[%get3A_152, %get3A_153] {strides = array<i32>} : memref<200x64xf32, #tpu.memory_space<vmem>>, vector<1x16xf32>,
        %get3A_155 = vector.shape_cast %get3A_154 : vector<1x16xf32> to vector<16xf32>
        %get3A_156 = arith.index_cast %scan3A_111 : i32 to index
        %get3A_157 = arith.constant 48 : index
        %get3A_158 = tpu.vector_load %arg7[%get3A_156, %get3A_157] {strides = array<i32>} : memref<200x64xf32, #tpu.memory_space<vmem>>, vector<1x16xf32>,
        %get3A_159 = vector.shape_cast %get3A_158 : vector<1x16xf32> to vector<16xf32>
        %add3A_160 = arith.addf %get3A_155, %get3A_159 : vector<16xf32>
        %swap3A_161 = arith.index_cast %scan3A_111 : i32 to index
        %swap3A_162 = arith.constant 48 : index
        %swap3A_163 = tpu.vector_load %arg10[%swap3A_161, %swap3A_162] {strides = array<i32>} : memref<200x64xf32, #tpu.memory_space<vmem>>, vector<1x16xf32>,
        %swap3A_164 = vector.shape_cast %swap3A_163 : vector<1x16xf32> to vector<16xf32>
        %swap3A_165 = vector.shape_cast %add3A_160 : vector<16xf32> to vector<1x16xf32>
        tpu.vector_store %arg10[%swap3A_161, %swap3A_162], %swap3A_165 {strides = array<i32>} : memref<200x64xf32, #tpu.memory_space<vmem>>, vector<1x16xf32>,
      }
      %scan3A_58 = arith.constant 200 : i32
      %add3A_59 = arith.addi %mul3A_2, %add3A_44 : i32
      %dma_start3A_60 = arith.constant 0 : i32
      %dma_start3A_61 = arith.constant 0 : i32
      %dma_start3A_62 = tpu.memref_slice %arg5[%add3A_59, %dma_start3A_60, %dma_start3A_61] : memref<4096x200x64xf32, #tpu.memory_space<hbm>> -> memref<1x200x64xf32, #tpu.memory_space<hbm>>
      %dma_start3A_63 = tpu.memref_squeeze %dma_start3A_62 : memref<1x200x64xf32, #tpu.memory_space<hbm>> -> memref<200x64xf32, #tpu.memory_space<hbm>>
      %dma_start3A_64 = arith.constant 0 : i32
      %dma_start3A_65 = arith.constant 0 : i32
      %dma_start3A_66 = tpu.memref_slice %arg5[%add3A_59, %dma_start3A_64, %dma_start3A_65] : memref<4096x200x64xf32, #tpu.memory_space<hbm>> -> memref<1x200x64xf32, #tpu.memory_space<hbm>>
      %dma_start3A_67 = tpu.memref_squeeze %dma_start3A_66 : memref<1x200x64xf32, #tpu.memory_space<hbm>> -> memref<200x64xf32, #tpu.memory_space<hbm>>
      tpu.enqueue_dma source(%arg10 : memref<200x64xf32, #tpu.memory_space<vmem>>) target(%dma_start3A_67 : memref<200x64xf32, #tpu.memory_space<hbm>>) target_semaphore(%arg14 : memref<!tpu.dma_semaphore, #tpu.memory_space<semaphore_mem>>)
      %add3A_68 = arith.constant 2 : i32
      %add3A_69 = arith.addi %add3A_44, %add3A_68 : i32
      %lt3A = arith.constant 128 : i32
      %lt3A_70 = arith.cmpi slt, %add3A_69, %lt3A : i32
      %convert_element_type3A_71 = arith.extui %lt3A_70 : i1 to i32
      %cond3A_72 = arith.constant 0 : i32
      %cond3A_73 = arith.cmpi ne, %convert_element_type3A_71, %cond3A_72 : i32
      scf.if %cond3A_73 {
        %add3A_111 = arith.constant 2 : i32
        %add3A_112 = arith.addi %add3A_44, %add3A_111 : i32
        %dma_start3A_113 = arith.constant 0 : i32
        %dma_start3A_114 = tpu.memref_slice %arg6[%add3A_112, %dma_start3A_113] : memref<128x200xi32, #tpu.memory_space<vmem>> -> memref<1x200xi32, #tpu.memory_space<vmem>>
        %dma_start3A_115 = tpu.memref_squeeze %dma_start3A_114 : memref<1x200xi32, #tpu.memory_space<vmem>> -> memref<200xi32, #tpu.memory_space<vmem>>
        %dma_start3A_116 = arith.constant 0 : i32
        %dma_start3A_117 = arith.constant 0 : i32
        %dma_start3A_118 = tpu.memref_slice %arg3[%dma_start3A_116, %dma_start3A_117] : memref<1000000x64xf32, #tpu.memory_space<hbm>> -> memref<1000000x64xf32, #tpu.memory_space<hbm>>
        tpu.enqueue_indirect_dma source(%dma_start3A_118 : memref<1000000x64xf32, #tpu.memory_space<hbm>>) target(%arg8 : memref<200x64xf32, #tpu.memory_space<vmem>>) offsets(%dma_start3A_115 : memref<200xi32, #tpu.memory_space<vmem>>) semaphore(%arg12 : memref<!tpu.dma_semaphore, #tpu.memory_space<semaphore_mem>>)
      } else {
      }
      %mul3A_74 = arith.constant 2 : i32
      %mul3A_75 = arith.muli %scan3A_40, %mul3A_74 : i32
      %add3A_76 = arith.constant 1 : i32
      %add3A_77 = arith.addi %mul3A_75, %add3A_76 : i32
      %dma_wait3A_78 = arith.constant 0 : i32
      %dma_wait3A_79 = tpu.memref_slice %arg6[%add3A_77, %dma_wait3A_78] : memref<128x200xi32, #tpu.memory_space<vmem>> -> memref<1x200xi32, #tpu.memory_space<vmem>>
      %dma_wait3A_80 = tpu.memref_squeeze %dma_wait3A_79 : memref<1x200xi32, #tpu.memory_space<vmem>> -> memref<200xi32, #tpu.memory_space<vmem>>
      %dma_wait3A_81 = arith.constant 0 : i32
      %dma_wait3A_82 = arith.constant 0 : i32
      %dma_wait3A_83 = tpu.memref_slice %arg3[%dma_wait3A_81, %dma_wait3A_82] : memref<1000000x64xf32, #tpu.memory_space<hbm>> -> memref<1000000x64xf32, #tpu.memory_space<hbm>>
      tpu.wait_indirect_dma semaphore(%arg13 : memref<!tpu.dma_semaphore, #tpu.memory_space<semaphore_mem>>) src(%dma_wait3A_83 : memref<1000000x64xf32, #tpu.memory_space<hbm>>) dst(%arg9 : memref<200x64xf32, #tpu.memory_space<vmem>>)
      %ge3A_84 = arith.constant 2 : i32
      %ge3A_85 = arith.cmpi sge, %add3A_77, %ge3A_84 : i32
      %convert_element_type3A_86 = arith.extui %ge3A_85 : i1 to i32
      %cond3A_87 = arith.constant 0 : i32
      %cond3A_88 = arith.cmpi ne, %convert_element_type3A_86, %cond3A_87 : i32
      scf.if %cond3A_88 {
        %sub3A = arith.constant 2 : i32
        %sub3A_111 = arith.subi %add3A_77, %sub3A : i32
        %add3A_112 = arith.addi %mul3A_2, %sub3A_111 : i32
        %dma_wait3A_113 = arith.constant 0 : i32
        %dma_wait3A_114 = arith.constant 0 : i32
        %dma_wait3A_115 = tpu.memref_slice %arg5[%add3A_112, %dma_wait3A_113, %dma_wait3A_114] : memref<4096x200x64xf32, #tpu.memory_space<hbm>> -> memref<1x200x64xf32, #tpu.memory_space<hbm>>
        %dma_wait3A_116 = tpu.memref_squeeze %dma_wait3A_115 : memref<1x200x64xf32, #tpu.memory_space<hbm>> -> memref<200x64xf32, #tpu.memory_space<hbm>>
        %dma_wait3A_117 = arith.constant 0 : i32
        %dma_wait3A_118 = arith.constant 0 : i32
        %dma_wait3A_119 = tpu.memref_slice %arg5[%add3A_112, %dma_wait3A_117, %dma_wait3A_118] : memref<4096x200x64xf32, #tpu.memory_space<hbm>> -> memref<1x200x64xf32, #tpu.memory_space<hbm>>
        %dma_wait3A_120 = tpu.memref_squeeze %dma_wait3A_119 : memref<1x200x64xf32, #tpu.memory_space<hbm>> -> memref<200x64xf32, #tpu.memory_space<hbm>>
        tpu.wait_dma2 semaphore(%arg15 : memref<!tpu.dma_semaphore, #tpu.memory_space<semaphore_mem>>) src(%arg11 : memref<200x64xf32, #tpu.memory_space<vmem>>) dst(%dma_wait3A_120 : memref<200x64xf32, #tpu.memory_space<hbm>>)
      } else {
      }
      %scan3A_89 = arith.constant 0 : i32
      %scan3A_90 = arith.constant 0 : i32
      %scan3A_91 = arith.constant 200 : i32
      %scan3A_92 = arith.addi %scan3A_90, %scan3A_91 : i32
      %scan3A_93 = arith.constant 1 : i32
      scf.for %scan3A_111 = %scan3A_90 to %scan3A_92 step %scan3A_93  : i32 {
        %get3A = arith.index_cast %scan3A_111 : i32 to index
        %get3A_112 = arith.constant 0 : index
        %get3A_113 = tpu.vector_load %arg9[%get3A, %get3A_112] {strides = array<i32>} : memref<200x64xf32, #tpu.memory_space<vmem>>, vector<1x16xf32>,
        %get3A_114 = vector.shape_cast %get3A_113 : vector<1x16xf32> to vector<16xf32>
        %get3A_115 = arith.index_cast %scan3A_111 : i32 to index
        %get3A_116 = arith.constant 0 : index
        %get3A_117 = tpu.vector_load %arg7[%get3A_115, %get3A_116] {strides = array<i32>} : memref<200x64xf32, #tpu.memory_space<vmem>>, vector<1x16xf32>,
        %get3A_118 = vector.shape_cast %get3A_117 : vector<1x16xf32> to vector<16xf32>
        %add3A_119 = arith.addf %get3A_114, %get3A_118 : vector<16xf32>
        %swap3A = arith.index_cast %scan3A_111 : i32 to index
        %swap3A_120 = arith.constant 0 : index
        %swap3A_121 = tpu.vector_load %arg11[%swap3A, %swap3A_120] {strides = array<i32>} : memref<200x64xf32, #tpu.memory_space<vmem>>, vector<1x16xf32>,
        %swap3A_122 = vector.shape_cast %swap3A_121 : vector<1x16xf32> to vector<16xf32>
        %swap3A_123 = vector.shape_cast %add3A_119 : vector<16xf32> to vector<1x16xf32>
        tpu.vector_store %arg11[%swap3A, %swap3A_120], %swap3A_123 {strides = array<i32>} : memref<200x64xf32, #tpu.memory_space<vmem>>, vector<1x16xf32>,
        %get3A_124 = arith.index_cast %scan3A_111 : i32 to index
        %get3A_125 = arith.constant 16 : index
        %get3A_126 = tpu.vector_load %arg9[%get3A_124, %get3A_125] {strides = array<i32>} : memref<200x64xf32, #tpu.memory_space<vmem>>, vector<1x16xf32>,
        %get3A_127 = vector.shape_cast %get3A_126 : vector<1x16xf32> to vector<16xf32>
        %get3A_128 = arith.index_cast %scan3A_111 : i32 to index
        %get3A_129 = arith.constant 16 : index
        %get3A_130 = tpu.vector_load %arg7[%get3A_128, %get3A_129] {strides = array<i32>} : memref<200x64xf32, #tpu.memory_space<vmem>>, vector<1x16xf32>,
        %get3A_131 = vector.shape_cast %get3A_130 : vector<1x16xf32> to vector<16xf32>
        %add3A_132 = arith.addf %get3A_127, %get3A_131 : vector<16xf32>
        %swap3A_133 = arith.index_cast %scan3A_111 : i32 to index
        %swap3A_134 = arith.constant 16 : index
        %swap3A_135 = tpu.vector_load %arg11[%swap3A_133, %swap3A_134] {strides = array<i32>} : memref<200x64xf32, #tpu.memory_space<vmem>>, vector<1x16xf32>,
        %swap3A_136 = vector.shape_cast %swap3A_135 : vector<1x16xf32> to vector<16xf32>
        %swap3A_137 = vector.shape_cast %add3A_132 : vector<16xf32> to vector<1x16xf32>
        tpu.vector_store %arg11[%swap3A_133, %swap3A_134], %swap3A_137 {strides = array<i32>} : memref<200x64xf32, #tpu.memory_space<vmem>>, vector<1x16xf32>,
        %get3A_138 = arith.index_cast %scan3A_111 : i32 to index
        %get3A_139 = arith.constant 32 : index
        %get3A_140 = tpu.vector_load %arg9[%get3A_138, %get3A_139] {strides = array<i32>} : memref<200x64xf32, #tpu.memory_space<vmem>>, vector<1x16xf32>,
        %get3A_141 = vector.shape_cast %get3A_140 : vector<1x16xf32> to vector<16xf32>
        %get3A_142 = arith.index_cast %scan3A_111 : i32 to index
        %get3A_143 = arith.constant 32 : index
        %get3A_144 = tpu.vector_load %arg7[%get3A_142, %get3A_143] {strides = array<i32>} : memref<200x64xf32, #tpu.memory_space<vmem>>, vector<1x16xf32>,
        %get3A_145 = vector.shape_cast %get3A_144 : vector<1x16xf32> to vector<16xf32>
        %add3A_146 = arith.addf %get3A_141, %get3A_145 : vector<16xf32>
        %swap3A_147 = arith.index_cast %scan3A_111 : i32 to index
        %swap3A_148 = arith.constant 32 : index
        %swap3A_149 = tpu.vector_load %arg11[%swap3A_147, %swap3A_148] {strides = array<i32>} : memref<200x64xf32, #tpu.memory_space<vmem>>, vector<1x16xf32>,
        %swap3A_150 = vector.shape_cast %swap3A_149 : vector<1x16xf32> to vector<16xf32>
        %swap3A_151 = vector.shape_cast %add3A_146 : vector<16xf32> to vector<1x16xf32>
        tpu.vector_store %arg11[%swap3A_147, %swap3A_148], %swap3A_151 {strides = array<i32>} : memref<200x64xf32, #tpu.memory_space<vmem>>, vector<1x16xf32>,
        %get3A_152 = arith.index_cast %scan3A_111 : i32 to index
        %get3A_153 = arith.constant 48 : index
        %get3A_154 = tpu.vector_load %arg9[%get3A_152, %get3A_153] {strides = array<i32>} : memref<200x64xf32, #tpu.memory_space<vmem>>, vector<1x16xf32>,
        %get3A_155 = vector.shape_cast %get3A_154 : vector<1x16xf32> to vector<16xf32>
        %get3A_156 = arith.index_cast %scan3A_111 : i32 to index
        %get3A_157 = arith.constant 48 : index
        %get3A_158 = tpu.vector_load %arg7[%get3A_156, %get3A_157] {strides = array<i32>} : memref<200x64xf32, #tpu.memory_space<vmem>>, vector<1x16xf32>,
        %get3A_159 = vector.shape_cast %get3A_158 : vector<1x16xf32> to vector<16xf32>
        %add3A_160 = arith.addf %get3A_155, %get3A_159 : vector<16xf32>
        %swap3A_161 = arith.index_cast %scan3A_111 : i32 to index
        %swap3A_162 = arith.constant 48 : index
        %swap3A_163 = tpu.vector_load %arg11[%swap3A_161, %swap3A_162] {strides = array<i32>} : memref<200x64xf32, #tpu.memory_space<vmem>>, vector<1x16xf32>,
        %swap3A_164 = vector.shape_cast %swap3A_163 : vector<1x16xf32> to vector<16xf32>
        %swap3A_165 = vector.shape_cast %add3A_160 : vector<16xf32> to vector<1x16xf32>
        tpu.vector_store %arg11[%swap3A_161, %swap3A_162], %swap3A_165 {strides = array<i32>} : memref<200x64xf32, #tpu.memory_space<vmem>>, vector<1x16xf32>,
      }
      %scan3A_94 = arith.constant 200 : i32
      %add3A_95 = arith.addi %mul3A_2, %add3A_77 : i32
      %dma_start3A_96 = arith.constant 0 : i32
      %dma_start3A_97 = arith.constant 0 : i32
      %dma_start3A_98 = tpu.memref_slice %arg5[%add3A_95, %dma_start3A_96, %dma_start3A_97] : memref<4096x200x64xf32, #tpu.memory_space<hbm>> -> memref<1x200x64xf32, #tpu.memory_space<hbm>>
      %dma_start3A_99 = tpu.memref_squeeze %dma_start3A_98 : memref<1x200x64xf32, #tpu.memory_space<hbm>> -> memref<200x64xf32, #tpu.memory_space<hbm>>
      %dma_start3A_100 = arith.constant 0 : i32
      %dma_start3A_101 = arith.constant 0 : i32
      %dma_start3A_102 = tpu.memref_slice %arg5[%add3A_95, %dma_start3A_100, %dma_start3A_101] : memref<4096x200x64xf32, #tpu.memory_space<hbm>> -> memref<1x200x64xf32, #tpu.memory_space<hbm>>
      %dma_start3A_103 = tpu.memref_squeeze %dma_start3A_102 : memref<1x200x64xf32, #tpu.memory_space<hbm>> -> memref<200x64xf32, #tpu.memory_space<hbm>>
      tpu.enqueue_dma source(%arg11 : memref<200x64xf32, #tpu.memory_space<vmem>>) target(%dma_start3A_103 : memref<200x64xf32, #tpu.memory_space<hbm>>) target_semaphore(%arg15 : memref<!tpu.dma_semaphore, #tpu.memory_space<semaphore_mem>>)
      %add3A_104 = arith.constant 2 : i32
      %add3A_105 = arith.addi %add3A_77, %add3A_104 : i32
      %lt3A_106 = arith.constant 128 : i32
      %lt3A_107 = arith.cmpi slt, %add3A_105, %lt3A_106 : i32
      %convert_element_type3A_108 = arith.extui %lt3A_107 : i1 to i32
      %cond3A_109 = arith.constant 0 : i32
      %cond3A_110 = arith.cmpi ne, %convert_element_type3A_108, %cond3A_109 : i32
      scf.if %cond3A_110 {
        %add3A_111 = arith.constant 2 : i32
        %add3A_112 = arith.addi %add3A_77, %add3A_111 : i32
        %dma_start3A_113 = arith.constant 0 : i32
        %dma_start3A_114 = tpu.memref_slice %arg6[%add3A_112, %dma_start3A_113] : memref<128x200xi32, #tpu.memory_space<vmem>> -> memref<1x200xi32, #tpu.memory_space<vmem>>
        %dma_start3A_115 = tpu.memref_squeeze %dma_start3A_114 : memref<1x200xi32, #tpu.memory_space<vmem>> -> memref<200xi32, #tpu.memory_space<vmem>>
        %dma_start3A_116 = arith.constant 0 : i32
        %dma_start3A_117 = arith.constant 0 : i32
        %dma_start3A_118 = tpu.memref_slice %arg3[%dma_start3A_116, %dma_start3A_117] : memref<1000000x64xf32, #tpu.memory_space<hbm>> -> memref<1000000x64xf32, #tpu.memory_space<hbm>>
        tpu.enqueue_indirect_dma source(%dma_start3A_118 : memref<1000000x64xf32, #tpu.memory_space<hbm>>) target(%arg9 : memref<200x64xf32, #tpu.memory_space<vmem>>) offsets(%dma_start3A_115 : memref<200xi32, #tpu.memory_space<vmem>>) semaphore(%arg13 : memref<!tpu.dma_semaphore, #tpu.memory_space<semaphore_mem>>)
      } else {
      }
    }
    %scan3A_20 = arith.constant 64 : i32
    %add3A_21 = arith.constant 126 : i32
    %add3A_22 = arith.addi %mul3A_2, %add3A_21 : i32
    %dma_wait3A = arith.constant 0 : i32
    %dma_wait3A_23 = arith.constant 0 : i32
    %dma_wait3A_24 = tpu.memref_slice %arg5[%add3A_22, %dma_wait3A, %dma_wait3A_23] : memref<4096x200x64xf32, #tpu.memory_space<hbm>> -> memref<1x200x64xf32, #tpu.memory_space<hbm>>
    %dma_wait3A_25 = tpu.memref_squeeze %dma_wait3A_24 : memref<1x200x64xf32, #tpu.memory_space<hbm>> -> memref<200x64xf32, #tpu.memory_space<hbm>>
    %dma_wait3A_26 = arith.constant 0 : i32
    %dma_wait3A_27 = arith.constant 0 : i32
    %dma_wait3A_28 = tpu.memref_slice %arg5[%add3A_22, %dma_wait3A_26, %dma_wait3A_27] : memref<4096x200x64xf32, #tpu.memory_space<hbm>> -> memref<1x200x64xf32, #tpu.memory_space<hbm>>
    %dma_wait3A_29 = tpu.memref_squeeze %dma_wait3A_28 : memref<1x200x64xf32, #tpu.memory_space<hbm>> -> memref<200x64xf32, #tpu.memory_space<hbm>>
    tpu.wait_dma2 semaphore(%arg14 : memref<!tpu.dma_semaphore, #tpu.memory_space<semaphore_mem>>) src(%arg10 : memref<200x64xf32, #tpu.memory_space<vmem>>) dst(%dma_wait3A_29 : memref<200x64xf32, #tpu.memory_space<hbm>>)
    %add3A_30 = arith.constant 127 : i32
    %add3A_31 = arith.addi %mul3A_2, %add3A_30 : i32
    %dma_wait3A_32 = arith.constant 0 : i32
    %dma_wait3A_33 = arith.constant 0 : i32
    %dma_wait3A_34 = tpu.memref_slice %arg5[%add3A_31, %dma_wait3A_32, %dma_wait3A_33] : memref<4096x200x64xf32, #tpu.memory_space<hbm>> -> memref<1x200x64xf32, #tpu.memory_space<hbm>>
    %dma_wait3A_35 = tpu.memref_squeeze %dma_wait3A_34 : memref<1x200x64xf32, #tpu.memory_space<hbm>> -> memref<200x64xf32, #tpu.memory_space<hbm>>
    %dma_wait3A_36 = arith.constant 0 : i32
    %dma_wait3A_37 = arith.constant 0 : i32
    %dma_wait3A_38 = tpu.memref_slice %arg5[%add3A_31, %dma_wait3A_36, %dma_wait3A_37] : memref<4096x200x64xf32, #tpu.memory_space<hbm>> -> memref<1x200x64xf32, #tpu.memory_space<hbm>>
    %dma_wait3A_39 = tpu.memref_squeeze %dma_wait3A_38 : memref<1x200x64xf32, #tpu.memory_space<hbm>> -> memref<200x64xf32, #tpu.memory_space<hbm>>
    tpu.wait_dma2 semaphore(%arg15 : memref<!tpu.dma_semaphore, #tpu.memory_space<semaphore_mem>>) src(%arg11 : memref<200x64xf32, #tpu.memory_space<vmem>>) dst(%dma_wait3A_39 : memref<200x64xf32, #tpu.memory_space<hbm>>)
    return
  }
}

</mosaic_0001>

<sc_bundles>
// kernel: kernel.3.cloned.1.call-start
scs
__scs_entry_jumppad:
0x0: {  	(pc) =	sbr.rel $0x88, $3  }
0x1: {  	(tag) =	ssettag $0x0;
	lr =	simm.s32 $0x1  }
0x2: {  	[smem:$0x3F9E] =	sst lr;
	_ =	strace $0xD0000000  }
0x3: {  	_ = 	snop  }
0x4: {  	_ = 	snop  }
0x5: {  	_ = 	snop  }
0x6: {  	_ = 	snop  }
0x7: {  	_ = 	snop  }
__scs_overlays_trampoline_lowered:
0x8: {  	[smem:$0x3FAD] =	sst s0  }
0x9: {  	[smem:$0x3FAE] =	sst s1  }
0xa: {  	[smem:$0x3FAF] =	sst s2  }
0xb: {  	[smem:$0x3FB0] =	sst s3  }
0xc: {  	[smem:$0x3FB1] =	sst s4  }
0xd: {  	[smem:$0x3FB2] =	sst s5  }
0xe: {  	[smem:$0x3FB3] =	sst s6  }
0xf: {  	[smem:$0x3FB4] =	sst s7  }
0x10: {  	[smem:$0x3FB5] =	sst s8  }
0x11: {  	[smem:$0x3FB6] =	sst s9;
	s0 =	simm.s32 @!p0 $0x0  }
0x12: {  	s1 =	sld [smem:$0x3F9C];
	s0 =	simm.s32 @p0 $0x1  }
0x13: {  	[smem:$0x3FB7] =	sst s0;
	s0 =	simm.s32 @!p1 $0x0  }
0x14: {  	s2 =	sld [smem:$0x3F9B];
	s0 =	simm.s32 @p1 $0x1  }
0x15: {  	[smem:$0x3FB8] =	sst s0;
	s0 =	simm.s32 @!p2 $0x0  }
0x16: {  	s3 =	sld [smem:$0x3FDB];
	s0 =	simm.s32 @p2 $0x1  }
0x17: {  	s4 =	simm.s32 $0x1BF5;
	[smem:$0x3FBA] =	sst s0  }
0x18: {  	s0 =	sld [smem:$0x3F9D];
	_ =	swait.ge [sflag:s4], $0x0  }
0x19: {  	s7 =	sld [smem:$0x3F9E]  }
0x1a: {  	s8 =	sadd.s32 $0xFFFFE003, lr  }
0x1b: {  	s9 =	sadd.s32 $0xFFFFFEF7, lr;
	s5 =	simm.s32 $0xFFFFFFFF;
	p2 =	slt.u32 s8, $0xFFFFF086  }
0x1c: {  	p1 =	slt.u32 s9, $0xF7A;
	s5 =	simm.s32 @!p2 $0x0  }
0x1d: {  	s5 =	simm.s32 @p1 $0x1;
	p0 =	seq.s32 s7, s2  }
0x1e: {  	s7 =	smul.u32 @!p0 $0xF7A, s2;
	p2 =	seq.s32 @!p0 s5, $0x0  }
0x1f: {  	s9 =	smul.u32 $0xF7A, s1;
	s8 =	simm.s32 @!p0 $0x1BF5;
	p2 =	por !p2, p0  }
0x20: {  	[sflag:s8] =	ssyncset.s32 @!p0 $0xFFFFF086;
	s6 =	sadd.s32 @!p0 s3, s7;
	s7 =	simm.s32 @!p0 $0x108  }
0x21: {  	s3 =	sadd.s32 s3, s9;
	s6 =	sadd.s32 @!p0 $0x88, s6;
	s7 =	simm.s32 @p2 $0x1082  }
0x22: {  	[simem:s7], [sflag:s8] =	dma.local @!p0 [hbm:s6], $0xF7A  }
0x23: {  	s9 =	sor.u32 $0xD0000000, s2;
	s6 =	simm.s32 $0x108;
	_ =	swait.ge @!p0 [sflag:s8], $0x0  }
0x24: {  	s3 =	sadd.s32 $0x88, s3;
	s6 =	simm.s32 @!p1 $0x1082;
	[sflag:s4] =	ssyncset.s32 $0xFFFFF086  }
0x25: {  	[simem:s6], [sflag:s4] =	dma.local [hbm:s3], $0xF7A  }
0x26: {  	[smem:$0x3F9E] =	sst s1;
	(tag) =	ssettag s2;
	_ =	strace s9  }
0x27: {  	s1 =	sld [smem:$0x3FAE]  }
0x28: {  	s2 =	sld [smem:$0x3FAF]  }
0x29: {  	s4 =	sld [smem:$0x3FB1]  }
0x2a: {  	p0 =	seq.s32 s5, $0x0;
	s5 =	sld [smem:$0x3FB2]  }
0x2b: {  	s6 =	sld [smem:$0x3FB3]  }
0x2c: {  	s7 =	sld [smem:$0x3FB4]  }
0x2d: {  	s3 =	simm.s32 $0x108;
	s8 =	sld [smem:$0x3FB5]  }
0x2e: {  	s3 =	simm.s32 @!p0 $0x1082;
	s9 =	sld [smem:$0x3FB6]  }
0x2f: {  	lr =	sadd.s32 s0, s3;
	s0 =	sld [smem:$0x3FAD]  }
0x30: {  	s3 =	sld [smem:$0x3FB0]  }
0x31: {  	[smem:$0x3FB9] =	sst s10  }
0x32: {  	s10 =	sld [smem:$0x3FB7];
	_ =	sdelay $0x3  }
0x33: {  	p0 =	seq.s32 s10, $0x1;
	s10 =	sld [smem:$0x3FB9];
	_ =	sdelay $0x3  }
0x34: {  	[smem:$0x3FB9] =	sst s10  }
0x35: {  	s10 =	sld [smem:$0x3FB8];
	_ =	sdelay $0x3  }
0x36: {  	p1 =	seq.s32 s10, $0x1;
	s10 =	sld [smem:$0x3FB9];
	_ =	sdelay $0x3  }
0x37: {  	[smem:$0x3FB9] =	sst s10  }
0x38: {  	s10 =	sld [smem:$0x3FBA]  }
0x39: {  	_ = 	snop;
	(pc) =	sbr.ind lr, $3  }
0x3a: {  	_ = 	snop  }
0x3b: {  	_ = 	snop  }
0x3c: {  	p2 =	seq.s32 s10, $0x1;
	s10 =	sld [smem:$0x3FB9]  }
0x3d: {  	_ =	shalt  }
0x3e: {  	_ =	shalt  }
0x3f: {  	_ =	shalt  }
0x40: {  	_ =	shalt  }
0x41: {  	_ =	shalt  }
0x42: {  	_ =	shalt  }
0x43: {  	_ =	shalt  }
0x44: {  	_ =	shalt  }
0x45: {  	_ =	shalt  }
0x46: {  	_ =	shalt  }
0x47: {  	_ =	shalt  }
0x48: {  	_ =	shalt  }
0x49: {  	_ =	shalt  }
0x4a: {  	_ =	shalt  }
0x4b: {  	_ =	shalt  }
0x4c: {  	_ =	shalt  }
0x4d: {  	_ =	shalt  }
0x4e: {  	_ =	shalt  }
0x4f: {  	_ =	shalt  }
0x50: {  	_ =	shalt  }
0x51: {  	_ =	shalt  }
0x52: {  	_ =	shalt  }
0x53: {  	_ =	shalt  }
0x54: {  	_ =	shalt  }
0x55: {  	_ =	shalt  }
0x56: {  	_ =	shalt  }
0x57: {  	_ =	shalt  }
0x58: {  	_ =	shalt  }
0x59: {  	_ =	shalt  }
0x5a: {  	_ =	shalt  }
0x5b: {  	_ =	shalt  }
0x5c: {  	_ =	shalt  }
0x5d: {  	_ =	shalt  }
0x5e: {  	_ =	shalt  }
0x5f: {  	_ =	shalt  }
0x60: {  	_ =	shalt  }
0x61: {  	_ =	shalt  }
0x62: {  	_ =	shalt  }
0x63: {  	_ =	shalt  }
0x64: {  	_ =	shalt  }
0x65: {  	_ =	shalt  }
0x66: {  	_ =	shalt  }
0x67: {  	_ =	shalt  }
0x68: {  	_ =	shalt  }
0x69: {  	_ =	shalt  }
0x6a: {  	_ =	shalt  }
0x6b: {  	_ =	shalt  }
0x6c: {  	_ =	shalt  }
0x6d: {  	_ =	shalt  }
0x6e: {  	_ =	shalt  }
0x6f: {  	_ =	shalt  }
0x70: {  	_ =	shalt  }
0x71: {  	_ =	shalt  }
0x72: {  	_ =	shalt  }
0x73: {  	_ =	shalt  }
0x74: {  	_ =	shalt  }
0x75: {  	_ =	shalt  }
0x76: {  	_ =	shalt  }
0x77: {  	_ =	shalt  }
0x78: {  	_ =	shalt  }
0x79: {  	_ =	shalt  }
0x7a: {  	_ =	shalt  }
0x7b: {  	_ =	shalt  }
0x7c: {  	_ =	shalt  }
0x7d: {  	_ =	shalt  }
0x7e: {  	_ =	shalt  }
0x7f: {  	_ =	shalt  }
0x80: {  	_ =	shalt  }
0x81: {  	_ =	shalt  }
0x82: {  	_ =	shalt  }
0x83: {  	_ =	shalt  }
0x84: {  	_ =	shalt  }
0x85: {  	_ =	shalt  }
0x86: {  	_ =	shalt  }
0x87: {  	_ =	shalt  }
.Lfunc_end0:
.L_simem_size_0:
called_computation.1_lowered:
.L_overlay_start_0:
0x88: {  	s2 =	sld [smem:$0x3FD9]  }
0x89: {  	s3 =	sld [smem:$0x3FFE];
	_ =	sdelay $0x1  }
0x8a: {  	s1 =	srdreg.scid  }
0x8b: {  	s0 =	sand.u32 $0x1, s1  }
0x8c: {  	s17 =	sshll.u32 s0, $0xA;
	s2 =	sadd.s32 s3, s2  }
0x8d: {  	s2 =	sadd.s32 s2, s17  }
0x8e: {  	[smem:$0x3FC5] =	sst s2  }
0x8f: {  	_ = 	snop  }
0x90: {  	s2 =	sld [smem:$0x3FD0];
	(tm) =	ssettm $0x1  }
0x91: {  	s18 =	sld [smem:$0x3FFB];
	_ =	sdelay $0x3  }
0x92: {  	_ =	strace s18  }
0x93: {  	s3 =	sld [smem:$0x3FFC];
	_ =	sdelay $0x3  }
0x94: {  	_ =	strace s3  }
0x95: {  	s3 =	sld [smem:$0x3FFD];
	_ =	sdelay $0x3  }
0x96: {  	_ =	strace s3  }
0x97: {  	_ =	strace $0x8FFFFFFF  }
0x98: {  	s19 =	sld [smem:$0x3FDB];
	_ =	sdelay $0x1  }
0x99: {  	s4 =	simm.s32 $_scs_section_size  }
0x9a: {  	s5 =	simm.s32 $_size__tile_overlayer_lowered;
	s6 =	simm.s32 $_tile_overlayer_lowered  }
0x9b: {  	s22 =	simm.s32 $0x1BFF;
	s21 =	sshll.u32 s6, $0x1;
	s3 =	sadd.s32 s4, s19  }
0x9c: {  	s7 =	simm.s32 $0x0;
	s20 =	sshll.u32 s5, $0x1;
	s5 =	sadd.s32 s21, s3  }
0x9d: {  	[timem:s7], [sflag:s22] =	dma.local [hbm:s5], s20  }
0x9e: {  	_ =	swait.ge [sflag:s22], s20  }
0x9f: {  	s4 =	ssub.s32 $0x0, s20;
	[sflag:s22] =	ssyncset.done $0x0  }
0xa0: {  	[sflag:s22] =	ssyncadd.s32 s4;
	_ =	sdelay $0x1  }
0xa1: {  	s23 =	simm.s32 $0x1B8B  }
0xa2: {  	_ =	swait.ge [sflag:s23], $0x1  }
0xa3: {  	[sflag:s23] =	ssyncset.done $0x0  }
0xa4: {  	s25 =	simm.s32 $0x1B8E;
	s24 =	sld [smem:$0x3FFE];
	[sflag:s23] =	ssyncadd.s32 $0xFFFFFFFF  }
0xa5: {  	s26 =	simm.s32 $execute0_lowered;
	[smem:$0x3FD2] =	sst s25  }
0xa6: {  	s5 =	sshll.u32 s26, $0x1;
	_ =	strace $0x80000046;
	[dreg:$0x1] =	wrdreg $0xFFFFFFFF  }
0xa7: {  	s28 =	simm.s32 $_size_execute0_lowered;
	s3 =	sadd.s32 s3, s5;
	[dreg:$0x0] =	wrdreg $0x0  }
0xa8: {  	s5 =	sshll.u32 s28, $0x1;
	[dreg:$0x2] =	wrdreg s3  }
0xa9: {  	[dreg:$0x3] =	wrdreg s5  }
0xaa: {  	[dreg:$0x4] =	wrdreg $0xC0  }
0xab: {  	_ =	task [dreg:s7], $0x5FFFF  }
0xac: {  	[dreg:$0x1] =	wrdreg $0xFFFFFFFF  }
0xad: {  	[dreg:$0x0] =	wrdreg $0x60  }
0xae: {  	[dreg:$0x2] =	wrdreg s24  }
0xaf: {  	[dreg:$0x3] =	wrdreg s2  }
0xb0: {  	[dreg:$0x4] =	wrdreg $0x9  }
0xb1: {  	_ =	task.clear_ibuf [dreg:s7], $0x5FFFF;
	_ =	strace $0x90000046  }
0xb2: {  	s29 =	simm.s32 $0x9;
	_ =	strace $0x80000048  }
0xb3: {  	_ =	swait.ge [sflag:s29], $0x1  }
0xb4: {  	[sflag:s29] =	ssyncadd.s32 $0xFFFFFFFF  }
0xb5: {  	_ =	strace $0x90000048  }
0xb6: {  	_ =	sfence  }
0xb7: {  	s30 =	sld [smem:$0x0];
	_ =	sdelay $0x2  }
0xb8: {  	s31 =	sshll.u32 s1, $0xD;
	s1 =	sshrl.u32 s1, $0x2  }
0xb9: {  	s3 =	sand.u32 $0x4000, s31;
	s1 =	sadd.s32 s1, s30  }
0xba: {  	s0 =	sor.u32 s3, s0;
	s1 =	sshll.u32 s1, $0x11  }
0xbb: {  	s0 =	sor.u32 s1, s0  }
0xbc: {  	s0 =	sadd.s32 $0x8F2B, s0  }
0xbd: {  	[sflag:s0] =	ssyncadd.remote.s32 $0x1  }
0xbe: {  	_ =	sfence.sel $0xFFFF  }
0xbf: {  	[dreg:$0x0] =	wrdreg $0xFFFFFFFF;
	(pc) =	sbr.abs _section_cstart, $3  }
0xc0: {  	[dreg:$0x1] =	wrdreg $0xFFFFFFFF  }
0xc1: {  	_ =	task.clear_ibuf [dreg:s7], $0x2FFFF;
	_ =	strace $0x9FFFFFFF  }
0xc2: {  	(tm) =	ssettm $0x7FFFFFFF  }
0xc3: {  	_ =	shalt  }
tec
execute0_lowered:
.L_overlay_start_1:
0x0: {  	(tag) =	ssettag $0x1  }
0x1: {  	s1 =	srdreg.scid;
	s6 =	rddreg [dreg:$0x0]  }
0x2: {  	s0 =	stileid.u32;
	s2 =	rddreg [dreg:$0x1]  }
0x3: {  	s3 =	simm.s32 $0x0;
	s10 =	simm.s32 $0x6400;
	s11 =	simm.s32 $0xC8  }
0x4: {  	s12 =	simm.s32 $0x9600;
	s13 =	simm.s32 $0xC800;
	s14 =	simm.s32 $0x1  }
0x5: {  	s15 =	simm.s32 $0xFA00;
	s16 =	simm.s32 $0x2;
	s17 =	simm.s32 $0x12C00  }
0x6: {  	s18 =	simm.s32 $0x3;
	s19 =	simm.s32 $0x4;
	s5 =	sand.u32 $0x1, s1  }
0x7: {  	s20 =	simm.s32 $0x0;
	s4 =	sshll.u32 s0, $0x8;
	s7 =	sshll.u32 s5, $0x7  }
.Ltmp0:
0x8: {  	s1 =	rddreg [dreg:$0x2];
	s4 =	sor.u32 s7, s4;
	(pc) =	sbr.rel .LBB2_1-.Ltmp0, $4  }
0x9: {  	[smem:$0x7FF] =	sst s3;
	s8 =	ssub.s32 $0x2, s5;
	s7 =	smul.u32 $0x19, s4  }
0xa: {  	_ =	strace $0x80000047;
	s5 =	sadd.s32 $0xF43000, s6;
	s9 =	sshrl.u32 s8, $0x1  }
0xb: {  	s8 =	ssub.s32 s8, s9;
	s9 =	simm.s32 $0x5;
	s7 =	sadd.s32 s7, s6  }
0xc: {  	s8 =	smax.u32 s8, $0x1;
	s6 =	sadd.s32 $0x19C00, s6;
	s7 =	sadd.s32 $0xC00, s7  }
.LBB2_8:
0xd: {  	s20 =	sadd.s32 $0x1, s20  }
0xe: {  	_ =	swait.ge [sflag:s18], $0x3200;
	p0 =	sne.s32 s20, s8  }
.Ltmp1:
0xf: {  	[sflag:s18] =	ssyncset.done $0x0;
	(pc) =	sbr.rel @!p0 .LBB2_9-.Ltmp1, $4  }
0x10: {  	[sflag:s18] =	ssyncadd.s32 $0xFFFFCE00  }
0x11: {  	_ =	swait.ge [sflag:s19], $0x3200  }
0x12: {  	[sflag:s19] =	ssyncset.done $0x0  }
0x13: {  	[sflag:s19] =	ssyncadd.s32 $0xFFFFCE00  }
.LBB2_1:
0x14: {  	[tilespmem:s3], [sflag:$0x5] =	stream.linear.gather [hbm4b:s7+s3], $0x6400, $0x38;
	[tilespmem:$0x15E00] =	vst v63  }
0x15: {  	_ =	swait.ge [sflag:s9], $0x6400  }
0x16: {  	[sflag:s9] =	ssyncset.done $0x0  }
0x17: {  	[sflag:s9] =	ssyncadd.s32 $0xFFFF9C00  }
0x18: {  	[tilespmem:s10], [sflag:$0x5] =	stream.linear.gather [hbm4b:s6+s3], $0x3200, $0x38;
	[tilespmem:$0x15E00] =	vst v63  }
0x19: {  	_ =	swait.ge [sflag:s9], $0x3200  }
0x1a: {  	[sflag:s9] =	ssyncset.done $0x0  }
0x1b: {  	[sflag:s9] =	ssyncadd.s32 $0xFFFFCE00  }
0x1c: {  	[tilespmem:s12], [sflag:$0x1] =	stream.indirect.gather [hbm4b:s5+s11], $0x40, s3, s11, $0xb8;
	[tilespmem:$0x15E00] =	vst v63  }
0x1d: {  	s21 =	simm.s32 $0x0  }
0x1e: {  	[tilespmem:s13], [sflag:$0x2] =	stream.indirect.gather [hbm4b:s5+s11], $0x40, s11, s11, $0xb8;
	[tilespmem:$0x15E00] =	vst v63  }
.LBB2_2:
0x1f: {  	_ =	swait.ge [sflag:s14], $0x3200  }
0x20: {  	p0 =	seq.s32 s21, $0x0;
	[sflag:s14] =	ssyncset.done $0x0  }
0x21: {  	s22 =	simm.s32 @!p0 $0x3;
	[sflag:s14] =	ssyncadd.s32 $0xFFFFCE00  }
0x22: {  	_ =	swait.ge @!p0 [sflag:s22], $0x3200  }
0x23: {  	[sflag:s22] =	ssyncset.done @!p0 $0x0  }
0x24: {  	s24 =	simm.s32 $0x0;
	[sflag:s22] =	ssyncadd.s32 @!p0 $0xFFFFCE00  }
0x25: {  	v2 =	vld [tilespmem:s24+$0x9630]  }
0x26: {  	v4 =	vld [tilespmem:s24+$0x6430]  }
0x27: {  	v5 =	vld [tilespmem:s24+$0x9600]  }
0x28: {  	v6 =	vld [tilespmem:s24+$0x6400]  }
0x29: {  	v1 =	vld [tilespmem:s24+$0x9610]  }
0x2a: {  	v3 =	vld [tilespmem:s24+$0x6410]  }
0x2b: {  	v0 =	vld [tilespmem:s24+$0x9620];
	v7 =	vadd.f32 v4, v2  }
0x2c: {  	s23 =	simm.s32 $0x40;
	v4 =	vld [tilespmem:s24+$0x6420]  }
0x2d: {  	s25 =	simm.s32 $0x200;
	s22 =	sshll.u32 s21, $0x1;
	v2 =	vld [tilespmem:s23+$0x9630];
	v5 =	vadd.f32 v6, v5;
	[tilespmem:s24+$0xFA30] =	vst v7  }
.LBB2_3:
0x2e: {  	p1 =	sne.s32 s25, $0xC700;
	v6 =	vld [tilespmem:s23+$0x6430]  }
0x2f: {  	v7 =	vld [tilespmem:s23+$0x9600];
	[tilespmem:s24+$0xFA00] =	vst v5;
	v3 =	vadd.f32 v3, v1  }
0x30: {  	v5 =	vld [tilespmem:s23+$0x6400]  }
.Ltmp2:
0x31: {  	v1 =	vld [tilespmem:s23+$0x9610];
	[tilespmem:s24+$0xFA10] =	vst v3;
	v4 =	vadd.f32 v4, v0;
	(pc) =	sbr.rel @p1 .LBB2_3-.Ltmp2, $4  }
0x32: {  	v3 =	vld [tilespmem:s23+$0x6410]  }
0x33: {  	v0 =	vld [tilespmem:s23+$0x9620];
	v6 =	vadd.f32 v6, v2;
	[tilespmem:s24+$0xFA20] =	vst v4;
	s24 =	smov.u32 s23  }
0x34: {  	s23 =	sshra.s32 s25, $0x2;
	v4 =	vld [tilespmem:s24+$0x6420]  }
0x35: {  	s25 =	sadd.s32 $0x100, s25;
	v2 =	vld [tilespmem:s23+$0x9630];
	v5 =	vadd.f32 v5, v7;
	[tilespmem:s24+$0xFA30] =	vst v6  }
0x36: {  	v6 =	vld [tilespmem:s23+$0x6430]  }
0x37: {  	v7 =	vld [tilespmem:s23+$0x9600];
	[tilespmem:s24+$0xFA00] =	vst v5;
	v1 =	vadd.f32 v3, v1  }
0x38: {  	v3 =	vld [tilespmem:s23+$0x6400]  }
0x39: {  	v5 =	vld [tilespmem:s23+$0x9610];
	[tilespmem:s24+$0xFA10] =	vst v1;
	v0 =	vadd.f32 v4, v0  }
0x3a: {  	v1 =	vld [tilespmem:s23+$0x6410]  }
0x3b: {  	v4 =	vld [tilespmem:s23+$0x9620];
	[tilespmem:s24+$0xFA20] =	vst v0  }
0x3c: {  	v0 =	vld [tilespmem:s23+$0x6420];
	_ =	sdelay $0x1  }
0x3d: {  	s30 =	sadd.s32 s4, s22;
	v2 =	vadd.f32 v6, v2  }
0x3e: {  	s24 =	smul.u32 $0x640, s30;
	v3 =	vadd.f32 v3, v7  }
0x3f: {  	p1 =	seq.s32 s21, $0x3F;
	[tilespmem:s23+$0xFA30] =	vst v2;
	v1 =	vadd.f32 v1, v5  }
0x40: {  	s31 =	sadd.s32 s2, s24;
	s24 =	smul.u32 @!p1 $0x640, s21;
	[tilespmem:s23+$0xFA00] =	vst v3;
	v0 =	vadd.f32 v0, v4  }
0x41: {  	[tilespmem:s23+$0xFA10] =	vst v1  }
0x42: {  	[tilespmem:s23+$0xFA20] =	vst v0;
	s23 =	sshra.s32 @!p1 s24, $0x2  }
0x43: {  	[hbm4b:s31+s3] =	stream.linear.scatter [tilespmem:s15], [sflag:$0x3], $0x3200, $0x38;
	[tilespmem:$0x15E00] =	vst v63  }
0x44: {  	s25 =	simm.s32 @!p1 $0x9600;
	s24 =	simm.s32 @!p1 $0xC8;
	s23 =	sadd.s32 @!p1 $0x190, s23  }
0x45: {  	[tilespmem:s25], [sflag:$0x1] =	stream.indirect.gather @!p1 [hbm4b:s5+s24], $0x40, s23, s24, $0xb8;
	[tilespmem:$0x15E00] =	vst v63  }
0x46: {  	_ =	swait.ge [sflag:s16], $0x3200  }
0x47: {  	[sflag:s16] =	ssyncset.done $0x0  }
0x48: {  	s23 =	simm.s32 @!p0 $0x4;
	[sflag:s16] =	ssyncadd.s32 $0xFFFFCE00  }
0x49: {  	_ =	swait.ge @!p0 [sflag:s23], $0x3200  }
0x4a: {  	[sflag:s23] =	ssyncset.done @!p0 $0x0  }
0x4b: {  	s24 =	simm.s32 $0x0;
	[sflag:s23] =	ssyncadd.s32 @!p0 $0xFFFFCE00  }
0x4c: {  	v2 =	vld [tilespmem:s24+$0xC830]  }
0x4d: {  	v4 =	vld [tilespmem:s24+$0x6430]  }
0x4e: {  	v5 =	vld [tilespmem:s24+$0xC800]  }
0x4f: {  	v6 =	vld [tilespmem:s24+$0x6400]  }
0x50: {  	v1 =	vld [tilespmem:s24+$0xC810]  }
0x51: {  	v3 =	vld [tilespmem:s24+$0x6410]  }
0x52: {  	v0 =	vld [tilespmem:s24+$0xC820];
	v7 =	vadd.f32 v4, v2  }
0x53: {  	s23 =	simm.s32 $0x40;
	v4 =	vld [tilespmem:s24+$0x6420]  }
0x54: {  	s22 =	sor.u32 $0x1, s22;
	s25 =	simm.s32 $0x200;
	v2 =	vld [tilespmem:s23+$0xC830];
	v5 =	vadd.f32 v6, v5;
	[tilespmem:s24+$0x12C30] =	vst v7  }
.LBB2_5:
0x55: {  	p0 =	sne.s32 s25, $0xC700;
	v6 =	vld [tilespmem:s23+$0x6430]  }
0x56: {  	v7 =	vld [tilespmem:s23+$0xC800];
	[tilespmem:s24+$0x12C00] =	vst v5;
	v3 =	vadd.f32 v3, v1  }
0x57: {  	v5 =	vld [tilespmem:s23+$0x6400]  }
.Ltmp3:
0x58: {  	v1 =	vld [tilespmem:s23+$0xC810];
	[tilespmem:s24+$0x12C10] =	vst v3;
	v4 =	vadd.f32 v4, v0;
	(pc) =	sbr.rel @p0 .LBB2_5-.Ltmp3, $4  }
0x59: {  	v3 =	vld [tilespmem:s23+$0x6410]  }
0x5a: {  	v0 =	vld [tilespmem:s23+$0xC820];
	v6 =	vadd.f32 v6, v2;
	[tilespmem:s24+$0x12C20] =	vst v4;
	s24 =	smov.u32 s23  }
0x5b: {  	s23 =	sshra.s32 s25, $0x2;
	v4 =	vld [tilespmem:s24+$0x6420]  }
0x5c: {  	s25 =	sadd.s32 $0x100, s25;
	v2 =	vld [tilespmem:s23+$0xC830];
	v5 =	vadd.f32 v5, v7;
	[tilespmem:s24+$0x12C30] =	vst v6  }
0x5d: {  	v6 =	vld [tilespmem:s23+$0x6430]  }
0x5e: {  	v7 =	vld [tilespmem:s23+$0xC800];
	[tilespmem:s24+$0x12C00] =	vst v5;
	v1 =	vadd.f32 v3, v1  }
0x5f: {  	v62 =	vld [tilespmem:s23+$0x6400]  }
0x60: {  	v5 =	vld [tilespmem:s23+$0xC810];
	[tilespmem:s24+$0x12C10] =	vst v1;
	v0 =	vadd.f32 v4, v0  }
0x61: {  	v1 =	vld [tilespmem:s23+$0x6410]  }
0x62: {  	v63 =	vld [tilespmem:s23+$0xC820];
	[tilespmem:s24+$0x12C20] =	vst v0  }
0x63: {  	v0 =	vld [tilespmem:s23+$0x6420];
	_ =	sdelay $0x1  }
0x64: {  	v2 =	vadd.f32 v6, v2  }
0x65: {  	v3 =	vadd.f32 v62, v7  }
.Ltmp4:
0x66: {  	s22 =	sadd.s32 s4, s22;
	[tilespmem:s23+$0x12C30] =	vst v2;
	v1 =	vadd.f32 v1, v5;
	(pc) =	sbr.rel @p1 .LBB2_8-.Ltmp4, $4  }
0x67: {  	s22 =	smul.u32 $0x640, s22;
	[tilespmem:s23+$0x12C00] =	vst v3;
	v0 =	vadd.f32 v0, v63  }
0x68: {  	[tilespmem:s23+$0x12C10] =	vst v1  }
0x69: {  	s22 =	sadd.s32 s2, s22;
	[tilespmem:s23+$0x12C20] =	vst v0  }
0x6a: {  	[hbm4b:s22+s3] =	stream.linear.scatter [tilespmem:s17], [sflag:$0x4], $0x3200, $0x38;
	[tilespmem:$0x15E00] =	vst v63  }
0x6b: {  	s22 =	smul.u32 $0x640, s21  }
.Ltmp5:
0x6c: {  	_ = 	snop;
	(pc) =	sbr.rel .LBB2_2-.Ltmp5, $4  }
0x6d: {  	_ = 	snop  }
0x6e: {  	s22 =	sshra.s32 s22, $0x2  }
0x6f: {  	s21 =	sadd.s32 $0x1, s21;
	s22 =	sadd.s32 $0x258, s22  }
0x70: {  	[tilespmem:s13], [sflag:$0x2] =	stream.indirect.gather [hbm4b:s5+s11], $0x40, s22, s11, $0xb8;
	[tilespmem:$0x15E00] =	vst v63  }
.LBB2_9:
0x71: {  	_ =	sfence.sel $0x180000  }
0x72: {  	[bflag:$0x0] =	sbarrier.arrive $0xFFFF  }
0x73: {  	p0 =	sne.s32 s0, $0x0;
	_ =	strace $0x90000047  }
0x74: {  	s0 =	sadd.s32 @!p0 $0x100000, s1;
	[bflag:$0x2] =	sbarrier.arrive $0xFFFF  }
0x75: {  	[sflag:s0] =	ssyncadd.tile.s32 @!p0 $0x1;
	_ =	shalt  }
.Lfunc_end2:
_tile_overlayer_lowered:
.L_overlay_start_2:
0x76: {  	(tag) =	ssettag $0x2  }
0x77: {  	s0 =	rddreg [dreg:$0x0];
	s2 =	stileid.u32  }
0x78: {  	s1 =	rddreg [dreg:$0x1];
	p0 =	sne.s32 s2, $0x0  }
0x79: {  	s3 =	rddreg [dreg:$0x2];
	[bflag:$0x3] =	sbarrier.arrive $0xFFFF;
	s2 =	simm.s32 @!p0 $0x1C05  }
0x7a: {  	[timem:s3], [sflag:s2] =	dma.local @!p0 [hbm:s0], s1  }
0x7b: {  	s0 =	simm.s32 @!p0 $0x5  }
0x7c: {  	_ =	swait.ge @!p0 [sflag:s0], s1  }
0x7d: {  	s1 =	ssub.s32 @!p0 $0x0, s1;
	[sflag:s0] =	ssyncset.done @!p0 $0x0  }
0x7e: {  	[sflag:s0] =	ssyncadd.s32 @!p0 s1  }
0x7f: {  	[bflag:$0x3] =	sbarrier.arrive $0xFFFF  }
0x80: {  	_ =	shalt  }

// kernel: sparse-core-data-format-call.cloned.1.call-start
scs
called_computation_lowered:
.L_overlay_start_0:
0x0: {  	s2 =	sld [smem:$0x3FD9]  }
0x1: {  	s3 =	sld [smem:$0x3FFE];
	_ =	sdelay $0x1  }
0x2: {  	s1 =	srdreg.scid  }
0x3: {  	s0 =	sand.u32 $0x1, s1  }
0x4: {  	s18 =	sshll.u32 s0, $0xA;
	s2 =	sadd.s32 s3, s2  }
0x5: {  	s2 =	sadd.s32 s2, s18  }
0x6: {  	[smem:$0x3FC5] =	sst s2  }
0x7: {  	_ = 	snop  }
0x8: {  	s2 =	sld [smem:$0x3FD0];
	(tm) =	ssettm $0x1  }
0x9: {  	s19 =	sld [smem:$0x3FFB];
	_ =	sdelay $0x3  }
0xa: {  	_ =	strace s19  }
0xb: {  	s3 =	sld [smem:$0x3FFC];
	_ =	sdelay $0x3  }
0xc: {  	_ =	strace s3  }
0xd: {  	s3 =	sld [smem:$0x3FFD];
	_ =	sdelay $0x3  }
0xe: {  	_ =	strace s3  }
0xf: {  	_ =	strace $0x8FFFFFFF  }
0x10: {  	s20 =	sld [smem:$0x3FDB];
	_ =	sdelay $0x1  }
0x11: {  	s4 =	simm.s32 $_scs_section_size  }
0x12: {  	s5 =	simm.s32 $_size__tile_overlayer_lowered;
	s6 =	simm.s32 $_tile_overlayer_lowered  }
0x13: {  	s23 =	simm.s32 $0x1BFF;
	s22 =	sshll.u32 s6, $0x1;
	s3 =	sadd.s32 s4, s20  }
0x14: {  	s7 =	simm.s32 $0x0;
	s21 =	sshll.u32 s5, $0x1;
	s5 =	sadd.s32 s22, s3  }
0x15: {  	[timem:s7], [sflag:s23] =	dma.local [hbm:s5], s21  }
0x16: {  	_ =	swait.ge [sflag:s23], s21  }
0x17: {  	s4 =	ssub.s32 $0x0, s21;
	[sflag:s23] =	ssyncset.done $0x0  }
0x18: {  	[sflag:s23] =	ssyncadd.s32 s4;
	_ =	sdelay $0x1  }
0x19: {  	s24 =	simm.s32 $0x1B8B  }
0x1a: {  	_ =	swait.ge [sflag:s24], $0x1  }
0x1b: {  	[sflag:s24] =	ssyncset.done $0x0  }
0x1c: {  	s26 =	simm.s32 $0x1B8E;
	s25 =	sld [smem:$0x3FFE];
	[sflag:s24] =	ssyncadd.s32 $0xFFFFFFFF  }
0x1d: {  	s27 =	simm.s32 $execute0_lowered;
	[smem:$0x3FD2] =	sst s26  }
0x1e: {  	s5 =	sshll.u32 s27, $0x1;
	_ =	strace $0x80000049;
	[dreg:$0x1] =	wrdreg $0xFFFFFFFF  }
0x1f: {  	s28 =	simm.s32 $_size_execute0_lowered;
	s3 =	sadd.s32 s3, s5;
	[dreg:$0x0] =	wrdreg $0x0  }
0x20: {  	s5 =	sshll.u32 s28, $0x1;
	[dreg:$0x2] =	wrdreg s3  }
0x21: {  	[dreg:$0x3] =	wrdreg s5  }
0x22: {  	[dreg:$0x4] =	wrdreg $0xC0  }
0x23: {  	_ =	task [dreg:s7], $0x5FFFF  }
0x24: {  	[dreg:$0x1] =	wrdreg $0xFFFFFFFF  }
0x25: {  	[dreg:$0x0] =	wrdreg $0x60  }
0x26: {  	[dreg:$0x2] =	wrdreg s25  }
0x27: {  	[dreg:$0x3] =	wrdreg s2  }
0x28: {  	[dreg:$0x4] =	wrdreg $0x9  }
0x29: {  	_ =	task.clear_ibuf [dreg:s7], $0x5FFFF;
	_ =	strace $0x90000049  }
0x2a: {  	s29 =	simm.s32 $0x9;
	_ =	strace $0x8000004B  }
0x2b: {  	_ =	swait.ge [sflag:s29], $0x1  }
0x2c: {  	[sflag:s29] =	ssyncadd.s32 $0xFFFFFFFF  }
0x2d: {  	_ =	strace $0x9000004B  }
0x2e: {  	_ =	sfence  }
0x2f: {  	s30 =	sld [smem:$0x0];
	_ =	sdelay $0x2  }
0x30: {  	s31 =	sshll.u32 s1, $0xD;
	s1 =	sshrl.u32 s1, $0x2  }
0x31: {  	s3 =	sand.u32 $0x4000, s31;
	s1 =	sadd.s32 s1, s30  }
0x32: {  	s0 =	sor.u32 s3, s0;
	s1 =	sshll.u32 s1, $0x11  }
0x33: {  	s0 =	sor.u32 s1, s0  }
0x34: {  	s0 =	sadd.s32 $0x8F2B, s0  }
0x35: {  	[sflag:s0] =	ssyncadd.remote.s32 $0x1  }
0x36: {  	_ =	sfence.sel $0xFFFF  }
0x37: {  	[dreg:$0x0] =	wrdreg $0xFFFFFFFF;
	(pc) =	sbr.abs _section_cstart, $3  }
0x38: {  	[dreg:$0x1] =	wrdreg $0xFFFFFFFF  }
0x39: {  	_ =	task.clear_ibuf [dreg:s7], $0x2FFFF;
	_ =	strace $0x9FFFFFFF  }
0x3a: {  	(tm) =	ssettm $0x7FFFFFFF  }
0x3b: {  	_ =	shalt  }
tec
execute0_lowered:
.L_overlay_start_1:
0x0: {  	(tag) =	ssettag $0x1  }
0x1: {  	s0 =	srdreg.scid  }
0x2: {  	s1 =	sshll.u32 s0, $0x4  }
0x3: {  	s0 =	stileid.u32;
	s1 =	sand.u32 $0x10, s1  }
0x4: {  	s1 =	sor.u32 s0, s1  }
0x5: {  	s6 =	rddreg [dreg:$0x0];
	s4 =	simm.s32 $0x1;
	s2 =	sshll.u32 s1, $0x7  }
0x6: {  	s7 =	simm.s32 $0x2;
	s12 =	simm.s32 $0x0;
	s1 =	ssub.s32 $0x1000, s2  }
0x7: {  	s8 =	simm.s32 $0x8000;
	s13 =	simm.s32 $0x0;
	s3 =	sand.u32 $0xF80, s1  }
0x8: {  	s9 =	simm.s32 $0x0;
	s5 =	sshrl.u32 s1, $0xC;
	p0 =	sne.s32 s3, $0x0  }
.Ltmp0:
0x9: {  	s1 =	rddreg [dreg:$0x2];
	s4 =	simm.s32 @!p0 $0x0;
	(pc) =	sbr.rel .LBB1_1-.Ltmp0, $4  }
0xa: {  	s11 =	simm.s32 $0x0;
	s3 =	rddreg [dreg:$0x1];
	s5 =	sadd.s32 s4, s5  }
0xb: {  	_ =	strace $0x8000004A;
	s4 =	simm.s32 $0x1;
	s5 =	smul.u32 $0xC8, s5  }
0xc: {  	s6 =	sadd.s32 $0xC00, s6;
	s10 =	smov.u32 s2;
	[sflag:s4] =	ssyncpa.u1 $0x0  }
0xd: {  	p0 =	por $0x0, $0x0;
	[sflag:s7] =	ssyncpa.u1 $0x0;
	s7 =	sor.u32 $0x1, s5  }
.LBB1_4:
0xe: {  	s16 =	sshll.u32 s13, $0x3;
	s17 =	sand.u32 $0x78, s13  }
0xf: {  	s30 =	sand.u32 $0x7E00, s13;
	s12 =	sshll.u32 s12, $0xF;
	s16 =	sand.u32 $0xC00, s16  }
0x10: {  	[tilespmem:s15+$0x810 ss:$0x81] =	vst.msk $0xffff, v2;
	s31 =	sand.u32 $0x7, s13;
	s16 =	sor.u32 s17, s16;
	s17 =	sadd.s32 s3, s30  }
0x11: {  	[tilespmem:s15+$0x1020 ss:$0x81] =	vst.msk $0xffff, v0;
	s13 =	sshll.u32 s31, $0x12;
	s12 =	sadd.s32 s12, s17;
	s16 =	sshrl.u32 s16, $0x3  }
0x12: {  	[tilespmem:s15+$0x0 ss:$0x81] =	vst.msk $0xffff, v1;
	s13 =	sor.u32 $0x400, s13;
	s12 =	sadd.s32 s16, s12  }
0x13: {  	[hbm4b:s12+s13] =	stream.strided.scatter [tilespmem:s14], [sflag:$0x2], $0x2000, s8, s13, $0x20;
	[tilespmem:$0x8080] =	vst v63  }
.LBB1_5:
0x14: {  	s14 =	sadd.s32 $0x1, s9  }
0x15: {  	s12 =	sadd.s32 $0x1000, s10;
	s16 =	smov.u32 s10;
	p2 =	sgt.s32 s14, $0xC7  }
0x16: {  	s16 =	smov.u32 @p2 s12  }
0x17: {  	s14 =	simm.s32 @p2 $0x0;
	p2 =	sgt.s32 s16, $0xFFF  }
0x18: {  	s16 =	smov.u32 @p2 s2;
	p2 =	sne.s32 s11, s7  }
.Ltmp1:
0x19: {  	p1 =	slt.u32 s11, $0x2;
	(pc) =	sbr.rel @!p2 .LBB1_6-.Ltmp1, $4  }
0x1a: {  	s15 =	simm.s32 @!p1 $0x2  }
0x1b: {  	s13 =	smov.u32 s10;
	p0 =	por !p0, !p0;
	_ =	swait.ge @!p1 [sflag:s15], $0x2000  }
0x1c: {  	s12 =	smov.u32 s9;
	[sflag:s15] =	ssyncset.done @!p1 $0x0;
	s9 =	smov.u32 s14  }
0x1d: {  	s11 =	sadd.s32 $0x1, s11;
	[sflag:s15] =	ssyncadd.s32 @!p1 $0xFFFFE000;
	s10 =	smov.u32 s16  }
.LBB1_1:
0x1e: {  	p1 =	sge.u32 s11, s5  }
0x1f: {  	s14 =	sand.u32 @!p1 $0x1FFFFFF, s9  }
0x20: {  	s15 =	smulhi.u32 @!p1 $0x147AE15, s14;
	_ =	sdelay $0x1  }
0x21: {  	s15 =	smul.u32 @!p1 $0xC8, s15  }
0x22: {  	s16 =	sxor.u32 @!p1 $0xFFFFFFFF, s11;
	s17 =	smul.u32 @!p1 $0xC80, s10  }
0x23: {  	s31 =	sadd.s32 $0xFFFFFFFF, s11;
	s16 =	sshll.u32 @!p1 s16, $0xD;
	s14 =	ssub.s32 @!p1 s14, s15  }
0x24: {  	s15 =	sand.u32 @!p1 $0x2000, s16;
	s16 =	sadd.s32 @!p1 s6, s17;
	s14 =	sshll.u32 @!p1 s14, $0x4  }
0x25: {  	s17 =	simm.s32 @!p1 $0x6400;
	s14 =	sadd.s32 @!p1 s14, s16;
	s16 =	simm.s32 @!p1 $0x40  }
0x26: {  	[tilespmem:s15], [sflag:$0x1] =	stream.strided.gather @!p1 [hbm4b:s14+s16], $0x2000, s17, s16, $0x38;
	[tilespmem:$0x8080] =	vst v63  }
0x27: {  	p1 =	sge.u32 s31, s5  }
.Ltmp2:
0x28: {  	_ = 	snop;
	(pc) =	sbr.rel @p1 .LBB1_5-.Ltmp2, $1  }
0x29: {  	_ =	sdelay $0x3  }
0x2a: {  	s14 =	simm.s32 $0x1  }
0x2b: {  	_ =	swait.ge [sflag:s4], $0x2000;
	s14 =	simm.s32 @!p0 $0x0  }
0x2c: {  	[sflag:s4] =	ssyncset.done $0x0;
	s15 =	sshll.u32 s14, $0xD  }
0x2d: {  	[sflag:s4] =	ssyncadd.s32 $0xFFFFE000;
	s18 =	sor.u32 $0x20, s15  }
0x2e: {  	s14 =	smul.u32 $0x8100, s14;
	v3 =	vld [tilespmem:s18+$0x10]  }
0x2f: {  	s30 =	sand.u32 $0x1, s11;
	v2 =	vld [tilespmem:s18+$0xFFFFFFF0]  }
0x30: {  	s15 =	smul.u32 $0x8100, s30;
	s14 =	sshrl.u32 s14, $0x2;
	v0 =	vld [tilespmem:s18+$0x0]  }
0x31: {  	v1 =	vld [tilespmem:s18+$0xFFFFFFE0];
	s16 =	sor.u32 $0x4000, s14  }
0x32: {  	s31 =	sshrl.u32 s15, $0x2;
	s15 =	sadd.s32 $0x0, s16  }
0x33: {  	s17 =	simm.s32 $0x4;
	s18 =	sadd.s32 $0x40, s18;
	s14 =	sor.u32 $0x4000, s31;
	[tilespmem:s15+$0x1830 ss:$0x81] =	vst.msk $0xffff, v3  }
.LBB1_3:
0x34: {  	v3 =	vld [tilespmem:s18+$0x10];
	p1 =	sne.s32 s17, $0x1FC;
	[tilespmem:s15+$0x810 ss:$0x81] =	vst.msk $0xffff, v2;
	s19 =	smov.u32 s17;
	s17 =	sadd.s32 $0x4, s17  }
.Ltmp3:
0x35: {  	v2 =	vld [tilespmem:s18+$0xFFFFFFF0];
	[tilespmem:s15+$0x1020 ss:$0x81] =	vst.msk $0xffff, v0;
	(pc) =	sbr.rel @p1 .LBB1_3-.Ltmp3, $4  }
0x36: {  	v0 =	vld [tilespmem:s18+$0x0];
	[tilespmem:s15+$0x0 ss:$0x81] =	vst.msk $0xffff, v1  }
0x37: {  	s15 =	sshra.s32 s19, $0x2;
	v1 =	vld [tilespmem:s18+$0xFFFFFFE0]  }
0x38: {  	s15 =	sadd.s32 s15, s16  }
0x39: {  	s18 =	sadd.s32 $0x40, s18;
	[tilespmem:s15+$0x1830 ss:$0x81] =	vst.msk $0xffff, v3  }
.Ltmp4:
0x3a: {  	_ = 	snop;
	(pc) =	sbr.rel .LBB1_4-.Ltmp4, $1  }
0x3b: {  	_ =	sdelay $0x3  }
.LBB1_6:
0x3c: {  	_ =	sfence.sel $0x180000  }
0x3d: {  	s2 =	simm.s32 $0x1;
	[bflag:$0x0] =	sbarrier.arrive $0xFFFF  }
0x3e: {  	s31 =	simm.s32 $0x2;
	[sflag:s2] =	ssyncpa.u1 $0x1  }
0x3f: {  	[sflag:s31] =	ssyncpa.u1 $0x1  }
0x40: {  	p0 =	sne.s32 s0, $0x0;
	_ =	strace $0x9000004A  }
0x41: {  	s0 =	sadd.s32 @!p0 $0x100000, s1;
	[bflag:$0x2] =	sbarrier.arrive $0xFFFF  }
0x42: {  	[sflag:s0] =	ssyncadd.tile.s32 @!p0 $0x1;
	_ =	shalt  }
.Lfunc_end1:
_tile_overlayer_lowered:
.L_overlay_start_2:
0x43: {  	(tag) =	ssettag $0x2  }
0x44: {  	s0 =	rddreg [dreg:$0x0];
	s2 =	stileid.u32  }
0x45: {  	s1 =	rddreg [dreg:$0x1];
	p0 =	sne.s32 s2, $0x0  }
0x46: {  	s3 =	rddreg [dreg:$0x2];
	[bflag:$0x3] =	sbarrier.arrive $0xFFFF;
	s2 =	simm.s32 @!p0 $0x1C01  }
0x47: {  	[timem:s3], [sflag:s2] =	dma.local @!p0 [hbm:s0], s1  }
0x48: {  	s0 =	simm.s32 @!p0 $0x1  }
0x49: {  	_ =	swait.ge @!p0 [sflag:s0], s1  }
0x4a: {  	s1 =	ssub.s32 @!p0 $0x0, s1;
	[sflag:s0] =	ssyncset.done @!p0 $0x0  }
0x4b: {  	[sflag:s0] =	ssyncadd.s32 @!p0 s1  }
0x4c: {  	[bflag:$0x3] =	sbarrier.arrive $0xFFFF  }
0x4d: {  	_ =	shalt  }

</sc_bundles>
